<compile_context>
chip_gen: v7x
topology: tpu7x:2x2x1
jax: 0.10.2.dev20260603
libtpu: 0.0.44.dev20260713+nightly
codegen_flags: <defaults>
</compile_context>

<pallas_src>
import functools

import jax
import jax.numpy as jnp
from jax import lax
from jax.experimental import pallas as pl
from jax.experimental.pallas import tpu as pltpu
from jax.experimental.pallas import tpu_sc as plsc

N = 10000
E = 320000
D = 128
NC = 2
NS = 16
K = 80
NPAD = 10240
RPT = NPAD // NS
DEGW = 128

DEG_CHUNKS = E // (NS * K)
MSG_CHUNKS = E // (NC * NS * K)


_mesh = plsc.VectorSubcoreMesh(core_axis_name="c", subcore_axis_name="s",
                               num_cores=NC, num_subcores=NS)


def _deg_body(e_hbm, ones_hbm, z_hbm, out_hbm, idx_all, ones_v, acc_sp, sem,
              *, chunks):
    c = lax.axis_index("c")
    s = lax.axis_index("s")
    pltpu.sync_copy(e_hbm.at[c, s], idx_all)
    pltpu.sync_copy(ones_hbm, ones_v)
    pltpu.sync_copy(z_hbm, acc_sp.at[pl.ds(s * RPT, RPT)])
    plsc.subcore_barrier()

    FIRE = 10

    def scatter(j, _):
        for f in range(FIRE):
            pltpu.async_copy(ones_v, acc_sp.at[idx_all.at[j * FIRE + f]],
                             sem, add=True)
        for f in range(FIRE):
            pltpu.make_async_copy(ones_v, acc_sp.at[idx_all.at[j * FIRE + f]],
                                  sem).wait()
        return 0

    lax.fori_loop(0, chunks // FIRE, scatter, 0)
    plsc.subcore_barrier()
    pltpu.sync_copy(acc_sp.at[pl.ds(s * RPT, RPT)],
                    out_hbm.at[c, pl.ds(s * RPT, RPT)])


@jax.jit
def _deg_call(e_a, ones_a, z_a):
    return pl.kernel(
        functools.partial(_deg_body, chunks=DEG_CHUNKS),
        out_type=jax.ShapeDtypeStruct((NC, NPAD, DEGW), jnp.float32),
        mesh=_mesh,
        scratch_types=[
            pltpu.VMEM((DEG_CHUNKS, K), jnp.int32),
            pltpu.VMEM((K, DEGW), jnp.float32),
            pltpu.VMEM_SHARED((NPAD, DEGW), jnp.float32),
            pltpu.SemaphoreType.DMA,
        ],
    )(e_a, ones_a, z_a)


def _msg_body(h_hbm, src_hbm, dst_hbm, z_hbm, out_hbm,
              idx_s, idx_d, rows0, rows1, acc_sp, sem0, sem1, *, chunks):
    c = lax.axis_index("c")
    s = lax.axis_index("s")
    pltpu.sync_copy(src_hbm.at[c, s], idx_s)
    pltpu.sync_copy(dst_hbm.at[c, s], idx_d)
    pltpu.sync_copy(z_hbm, acc_sp.at[pl.ds(s * RPT, RPT)])
    plsc.subcore_barrier()

    def fire(j, buf, sem):
        pltpu.async_copy(h_hbm.at[idx_s.at[pl.ds(j * K, K)]], buf, sem)

    def drain(j, buf, sem):
        pltpu.make_async_copy(h_hbm.at[idx_s.at[pl.ds(j * K, K)]],
                              buf, sem).wait()

    def scat(j, buf):
        pltpu.sync_copy(buf, acc_sp.at[idx_d.at[j]], add=True)

    fire(0, rows0, sem0)

    def pair(i, _):
        j0 = 2 * i
        fire(j0 + 1, rows1, sem1)
        drain(j0, rows0, sem0)
        scat(j0, rows0)
        fire(j0 + 2, rows0, sem0)
        drain(j0 + 1, rows1, sem1)
        scat(j0 + 1, rows1)
        return 0

    lax.fori_loop(0, (chunks - 1) // 2, pair, 0)
    drain(chunks - 1, rows0, sem0)
    scat(chunks - 1, rows0)
    plsc.subcore_barrier()
    pltpu.sync_copy(acc_sp.at[pl.ds(s * RPT, RPT)],
                    out_hbm.at[c, pl.ds(s * RPT, RPT)])


@jax.jit
def _msg_call(h, src_c, dst_c, z_m):
    return pl.kernel(
        functools.partial(_msg_body, chunks=MSG_CHUNKS),
        out_type=jax.ShapeDtypeStruct((NC, NPAD, D), jnp.float32),
        mesh=_mesh,
        scratch_types=[
            pltpu.VMEM((MSG_CHUNKS * K,), jnp.int32),
            pltpu.VMEM((MSG_CHUNKS, K), jnp.int32),
            pltpu.VMEM((K, D), jnp.float32),
            pltpu.VMEM((K, D), jnp.float32),
            pltpu.VMEM_SHARED((NPAD, D), jnp.float32),
            pltpu.SemaphoreType.DMA,
            pltpu.SemaphoreType.DMA,
        ],
    )(h, src_c, dst_c, z_m)


def _scale_body(x_ref, deg_ref, o_ref):
    d = deg_ref[:, 0:1]
    o_ref[...] = x_ref[...] * lax.rsqrt(jnp.maximum(d, 1.0))


@jax.jit
def _scale_call(x, deg_src):
    blk = 2000
    return pl.pallas_call(
        _scale_body,
        grid=(N // blk,),
        in_specs=[
            pl.BlockSpec((blk, D), lambda i: (i, 0)),
            pl.BlockSpec((blk, DEGW), lambda i: (i, 0)),
        ],
        out_specs=pl.BlockSpec((blk, D), lambda i: (i, 0)),
        out_shape=jax.ShapeDtypeStruct((N, D), jnp.float32),
    )(x, deg_src)


def _final_body(p0_ref, p1_ref, deg_ref, w_ref, b_ref, o_ref):
    norm = lax.rsqrt(jnp.maximum(deg_ref[:, 0:1], 1.0))
    agg = (p0_ref[...] + p1_ref[...]) * norm
    o_ref[...] = (jnp.dot(agg, w_ref[...], preferred_element_type=jnp.float32)
                  + b_ref[0, :])


@jax.jit
def _final_call(p0, p1, deg_dst, w, b8):
    blk = 2000
    return pl.pallas_call(
        _final_body,
        grid=(N // blk,),
        in_specs=[
            pl.BlockSpec((blk, D), lambda i: (i, 0)),
            pl.BlockSpec((blk, D), lambda i: (i, 0)),
            pl.BlockSpec((blk, DEGW), lambda i: (i, 0)),
            pl.BlockSpec((D, D), lambda i: (0, 0)),
            pl.BlockSpec((8, D), lambda i: (0, 0)),
        ],
        out_specs=pl.BlockSpec((blk, D), lambda i: (i, 0)),
        out_shape=jax.ShapeDtypeStruct((N, D), jnp.float32),
    )(p0, p1, deg_dst, w, b8)


def kernel(x, edge_index, W, b):
    ei = edge_index.astype(jnp.int32)
    e_a = ei.reshape(NC, NS, DEG_CHUNKS, K)
    ones_a = jnp.ones((K, DEGW), jnp.float32)
    z_a = jnp.zeros((RPT, DEGW), jnp.float32)
    degs = _deg_call(e_a, ones_a, z_a)
    h = _scale_call(x, degs[0])
    src_c = ei[0].reshape(NC, NS, MSG_CHUNKS * K)
    dst_c = ei[1].reshape(NC, NS, MSG_CHUNKS, K)
    z_m = jnp.zeros((RPT, D), jnp.float32)
    partials = _msg_call(h, src_c, dst_c, z_m)
    out = _final_call(partials[0], partials[1], degs[1], W,
                      jnp.broadcast_to(b, (8, D)))
    return out

# --- scband reference (transcript-rebuilt; emitter-appended) ---
"""Pipeline reference for scband-graph-conv-layer-45561013076510 (READ-ONLY COPY).

The authoritative reference and input builder live on the scoring server;
editing this copy changes nothing except your own understanding.
"""

import jax, jax.numpy as jnp
import numpy as np

N_NODES = 10000
N_EDGES = 320000
D_IN = 128
D_OUT = 128


def setup_inputs(seed: int = 0) -> dict:
    key = jax.random.key(seed)
    k1, k2, k3 = jax.random.split(key, 3)
    x = jax.random.normal(k1, (N_NODES, D_IN), dtype=jnp.float32)
    edge_index = jax.random.randint(k2, (2, N_EDGES), 0, N_NODES, dtype=jnp.int64)
    # GraphConv learned params (glorot-uniform weight, zero bias)
    limit = float(np.sqrt(6.0 / (D_IN + D_OUT)))
    W = jax.random.uniform(k3, (D_IN, D_OUT), minval=-limit, maxval=limit, dtype=jnp.float32)
    b = jnp.zeros((D_OUT,), dtype=jnp.float32)
    return {"x": x, "edge_index": edge_index, "W": W, "b": b}


def reference(x, edge_index, W, b):
    # Faithful port of dgl.nn.pytorch.GraphConv(norm='both', weight=True, bias=True)
    src = edge_index[0]
    dst = edge_index[1]
    n = x.shape[0]
    ones = jnp.ones((src.shape[0],), dtype=x.dtype)
    out_deg = jax.ops.segment_sum(ones, src, num_segments=n)
    in_deg = jax.ops.segment_sum(ones, dst, num_segments=n)
    norm_src = jnp.clip(out_deg, 1.0, None) ** (-0.5)
    norm_dst = jnp.clip(in_deg, 1.0, None) ** (-0.5)
    # src-side normalization
    h = x * norm_src[:, None]
    # message passing: gather from src, scatter-add to dst
    msgs = jnp.take(h, src, axis=0)
    agg = jax.ops.segment_sum(msgs, dst, num_segments=n)
    # dst-side normalization
    agg = agg * norm_dst[:, None]
    # linear transform + bias (in_feat == out_feat -> aggregate first, then weight)
    out = agg @ W + b
    return out

if __name__ == "__main__":
    import jax
    _d = setup_inputs()
    print(jax.jit(kernel)(*tuple(_d.values())))

</pallas_src>

<mosaic_0001>
#map = affine_map<(d0, d1) -> (0, 0, 0, 0)>
#map1 = affine_map<(d0, d1) -> (0, 0)>
#map2 = affine_map<(d0, d1) -> (0, 0, 0)>
module attributes {stable_mosaic.version = 14 : i64} {
  func.func @_deg_body(%arg0: i32, %arg1: i32, %arg2: memref<2x16x250x80xi32, #tpu.memory_space<hbm>>, %arg3: memref<80x128xf32, #tpu.memory_space<hbm>>, %arg4: memref<640x128xf32, #tpu.memory_space<hbm>>, %arg5: memref<2x10240x128xf32, #tpu.memory_space<hbm>>, %arg6: memref<250x80xi32, #tpu.memory_space<vmem>>, %arg7: memref<80x128xf32, #tpu.memory_space<vmem>>, %arg8: memref<10240x128xf32, #tpu.memory_space<vmem_shared>>, %arg9: memref<!tpu.dma_semaphore, #tpu.memory_space<semaphore_mem>>) attributes {dimension_semantics = [#tpu.dimension_semantics<core_parallel>, #tpu.dimension_semantics<subcore_parallel>], iteration_bounds = array<i64: 2, 16>, scalar_prefetch = 0 : i64, scratch_operands = 4 : i64, tpu.core_type = #tpu.core_type<sc_vector_subcore>, window_params = [{transform_indices = #map}, {transform_indices = #map1}, {transform_indices = #map1}, {transform_indices = #map2}]} {
    "tpu.region"() ({
      %run_scoped3A = tpu.sem_alloc : memref<!tpu.dma_semaphore, #tpu.memory_space<semaphore_mem>>
      %dma_start3A = arith.constant 0 : i32
      %dma_start3A_12 = arith.constant 0 : i32
      %dma_start3A_13 = tpu.memref_slice %arg2[%arg0, %arg1, %dma_start3A, %dma_start3A_12] : memref<2x16x250x80xi32, #tpu.memory_space<hbm>> -> memref<1x1x250x80xi32, #tpu.memory_space<hbm>>
      %dma_start3A_14 = tpu.memref_squeeze %dma_start3A_13 : memref<1x1x250x80xi32, #tpu.memory_space<hbm>> -> memref<250x80xi32, #tpu.memory_space<hbm>>
      %dma_start3A_15 = arith.constant 0 : i32
      %dma_start3A_16 = arith.constant 0 : i32
      %dma_start3A_17 = tpu.memref_slice %arg2[%arg0, %arg1, %dma_start3A_15, %dma_start3A_16] : memref<2x16x250x80xi32, #tpu.memory_space<hbm>> -> memref<1x1x250x80xi32, #tpu.memory_space<hbm>>
      %dma_start3A_18 = tpu.memref_squeeze %dma_start3A_17 : memref<1x1x250x80xi32, #tpu.memory_space<hbm>> -> memref<250x80xi32, #tpu.memory_space<hbm>>
      tpu.enqueue_dma source(%dma_start3A_18 : memref<250x80xi32, #tpu.memory_space<hbm>>) target(%arg6 : memref<250x80xi32, #tpu.memory_space<vmem>>) target_semaphore(%run_scoped3A : memref<!tpu.dma_semaphore, #tpu.memory_space<semaphore_mem>>)
      %dma_wait3A = arith.constant 0 : i32
      %dma_wait3A_19 = arith.constant 0 : i32
      %dma_wait3A_20 = tpu.memref_slice %arg2[%arg0, %arg1, %dma_wait3A, %dma_wait3A_19] : memref<2x16x250x80xi32, #tpu.memory_space<hbm>> -> memref<1x1x250x80xi32, #tpu.memory_space<hbm>>
      %dma_wait3A_21 = tpu.memref_squeeze %dma_wait3A_20 : memref<1x1x250x80xi32, #tpu.memory_space<hbm>> -> memref<250x80xi32, #tpu.memory_space<hbm>>
      %dma_wait3A_22 = arith.constant 0 : i32
      %dma_wait3A_23 = arith.constant 0 : i32
      %dma_wait3A_24 = tpu.memref_slice %arg2[%arg0, %arg1, %dma_wait3A_22, %dma_wait3A_23] : memref<2x16x250x80xi32, #tpu.memory_space<hbm>> -> memref<1x1x250x80xi32, #tpu.memory_space<hbm>>
      %dma_wait3A_25 = tpu.memref_squeeze %dma_wait3A_24 : memref<1x1x250x80xi32, #tpu.memory_space<hbm>> -> memref<250x80xi32, #tpu.memory_space<hbm>>
      tpu.wait_dma2 semaphore(%run_scoped3A : memref<!tpu.dma_semaphore, #tpu.memory_space<semaphore_mem>>) src(%dma_wait3A_25 : memref<250x80xi32, #tpu.memory_space<hbm>>) dst(%arg6 : memref<250x80xi32, #tpu.memory_space<vmem>>)
      tpu.yield
    }) : () -> ()
    "tpu.region"() ({
      %run_scoped3A = tpu.sem_alloc : memref<!tpu.dma_semaphore, #tpu.memory_space<semaphore_mem>>
      tpu.enqueue_dma source(%arg3 : memref<80x128xf32, #tpu.memory_space<hbm>>) target(%arg7 : memref<80x128xf32, #tpu.memory_space<vmem>>) target_semaphore(%run_scoped3A : memref<!tpu.dma_semaphore, #tpu.memory_space<semaphore_mem>>)
      tpu.wait_dma2 semaphore(%run_scoped3A : memref<!tpu.dma_semaphore, #tpu.memory_space<semaphore_mem>>) src(%arg3 : memref<80x128xf32, #tpu.memory_space<hbm>>) dst(%arg7 : memref<80x128xf32, #tpu.memory_space<vmem>>)
      tpu.yield
    }) : () -> ()
    %mul3A = arith.constant 640 : i32
    %mul3A_0 = arith.muli %arg1, %mul3A : i32
    "tpu.region"() ({
      %run_scoped3A = tpu.sem_alloc : memref<!tpu.dma_semaphore, #tpu.memory_space<semaphore_mem>>
      %dma_start3A = arith.constant 0 : i32
      %dma_start3A_12 = tpu.memref_slice %arg8[%mul3A_0, %dma_start3A] : memref<10240x128xf32, #tpu.memory_space<vmem_shared>> -> memref<640x128xf32, #tpu.memory_space<vmem_shared>>
      tpu.enqueue_dma source(%arg4 : memref<640x128xf32, #tpu.memory_space<hbm>>) target(%dma_start3A_12 : memref<640x128xf32, #tpu.memory_space<vmem_shared>>) target_semaphore(%run_scoped3A : memref<!tpu.dma_semaphore, #tpu.memory_space<semaphore_mem>>)
      %dma_wait3A = arith.constant 0 : i32
      %dma_wait3A_13 = tpu.memref_slice %arg8[%mul3A_0, %dma_wait3A] : memref<10240x128xf32, #tpu.memory_space<vmem_shared>> -> memref<640x128xf32, #tpu.memory_space<vmem_shared>>
      tpu.wait_dma2 semaphore(%run_scoped3A : memref<!tpu.dma_semaphore, #tpu.memory_space<semaphore_mem>>) src(%arg4 : memref<640x128xf32, #tpu.memory_space<hbm>>) dst(%dma_wait3A_13 : memref<640x128xf32, #tpu.memory_space<vmem_shared>>)
      tpu.yield
    }) : () -> ()
    %barrier3A = arith.constant 0 : index
    tpu.barrier barrier_id(%barrier3A)
    %scan3A = arith.constant 0 : i32
    %scan3A_1 = arith.constant 0 : i32
    %scan3A_2 = arith.constant 25 : i32
    %scan3A_3 = arith.addi %scan3A_1, %scan3A_2 : i32
    %scan3A_4 = arith.constant 1 : i32
    %scan3A_5 = scf.for %scan3A_12 = %scan3A_1 to %scan3A_3 step %scan3A_4 iter_args(%scan3A_13 = %scan3A) -> (i32)  : i32 {
      %mul3A_14 = arith.constant 10 : i32
      %mul3A_15 = arith.muli %scan3A_12, %mul3A_14 : i32
      %add3A = arith.constant 0 : i32
      %add3A_16 = arith.addi %mul3A_15, %add3A : i32
      %dma_start3A = arith.constant 0 : i32
      %dma_start3A_17 = tpu.memref_slice %arg6[%add3A_16, %dma_start3A] : memref<250x80xi32, #tpu.memory_space<vmem>> -> memref<1x80xi32, #tpu.memory_space<vmem>>
      %dma_start3A_18 = tpu.memref_squeeze %dma_start3A_17 : memref<1x80xi32, #tpu.memory_space<vmem>> -> memref<80xi32, #tpu.memory_space<vmem>>
      %dma_start3A_19 = arith.constant 0 : i32
      %dma_start3A_20 = arith.constant 0 : i32
      %dma_start3A_21 = tpu.memref_slice %arg8[%dma_start3A_19, %dma_start3A_20] : memref<10240x128xf32, #tpu.memory_space<vmem_shared>> -> memref<10240x128xf32, #tpu.memory_space<vmem_shared>>
      tpu.enqueue_indirect_dma source(%arg7 : memref<80x128xf32, #tpu.memory_space<vmem>>) target(%dma_start3A_21 : memref<10240x128xf32, #tpu.memory_space<vmem_shared>>) offsets(%dma_start3A_18 : memref<80xi32, #tpu.memory_space<vmem>>) semaphore(%arg9 : memref<!tpu.dma_semaphore, #tpu.memory_space<semaphore_mem>>) {add = true}
      %mul3A_22 = arith.constant 10 : i32
      %mul3A_23 = arith.muli %scan3A_12, %mul3A_22 : i32
      %add3A_24 = arith.constant 1 : i32
      %add3A_25 = arith.addi %mul3A_23, %add3A_24 : i32
      %dma_start3A_26 = arith.constant 0 : i32
      %dma_start3A_27 = tpu.memref_slice %arg6[%add3A_25, %dma_start3A_26] : memref<250x80xi32, #tpu.memory_space<vmem>> -> memref<1x80xi32, #tpu.memory_space<vmem>>
      %dma_start3A_28 = tpu.memref_squeeze %dma_start3A_27 : memref<1x80xi32, #tpu.memory_space<vmem>> -> memref<80xi32, #tpu.memory_space<vmem>>
      %dma_start3A_29 = arith.constant 0 : i32
      %dma_start3A_30 = arith.constant 0 : i32
      %dma_start3A_31 = tpu.memref_slice %arg8[%dma_start3A_29, %dma_start3A_30] : memref<10240x128xf32, #tpu.memory_space<vmem_shared>> -> memref<10240x128xf32, #tpu.memory_space<vmem_shared>>
      tpu.enqueue_indirect_dma source(%arg7 : memref<80x128xf32, #tpu.memory_space<vmem>>) target(%dma_start3A_31 : memref<10240x128xf32, #tpu.memory_space<vmem_shared>>) offsets(%dma_start3A_28 : memref<80xi32, #tpu.memory_space<vmem>>) semaphore(%arg9 : memref<!tpu.dma_semaphore, #tpu.memory_space<semaphore_mem>>) {add = true}
      %mul3A_32 = arith.constant 10 : i32
      %mul3A_33 = arith.muli %scan3A_12, %mul3A_32 : i32
      %add3A_34 = arith.constant 2 : i32
      %add3A_35 = arith.addi %mul3A_33, %add3A_34 : i32
      %dma_start3A_36 = arith.constant 0 : i32
      %dma_start3A_37 = tpu.memref_slice %arg6[%add3A_35, %dma_start3A_36] : memref<250x80xi32, #tpu.memory_space<vmem>> -> memref<1x80xi32, #tpu.memory_space<vmem>>
      %dma_start3A_38 = tpu.memref_squeeze %dma_start3A_37 : memref<1x80xi32, #tpu.memory_space<vmem>> -> memref<80xi32, #tpu.memory_space<vmem>>
      %dma_start3A_39 = arith.constant 0 : i32
      %dma_start3A_40 = arith.constant 0 : i32
      %dma_start3A_41 = tpu.memref_slice %arg8[%dma_start3A_39, %dma_start3A_40] : memref<10240x128xf32, #tpu.memory_space<vmem_shared>> -> memref<10240x128xf32, #tpu.memory_space<vmem_shared>>
      tpu.enqueue_indirect_dma source(%arg7 : memref<80x128xf32, #tpu.memory_space<vmem>>) target(%dma_start3A_41 : memref<10240x128xf32, #tpu.memory_space<vmem_shared>>) offsets(%dma_start3A_38 : memref<80xi32, #tpu.memory_space<vmem>>) semaphore(%arg9 : memref<!tpu.dma_semaphore, #tpu.memory_space<semaphore_mem>>) {add = true}
      %mul3A_42 = arith.constant 10 : i32
      %mul3A_43 = arith.muli %scan3A_12, %mul3A_42 : i32
      %add3A_44 = arith.constant 3 : i32
      %add3A_45 = arith.addi %mul3A_43, %add3A_44 : i32
      %dma_start3A_46 = arith.constant 0 : i32
      %dma_start3A_47 = tpu.memref_slice %arg6[%add3A_45, %dma_start3A_46] : memref<250x80xi32, #tpu.memory_space<vmem>> -> memref<1x80xi32, #tpu.memory_space<vmem>>
      %dma_start3A_48 = tpu.memref_squeeze %dma_start3A_47 : memref<1x80xi32, #tpu.memory_space<vmem>> -> memref<80xi32, #tpu.memory_space<vmem>>
      %dma_start3A_49 = arith.constant 0 : i32
      %dma_start3A_50 = arith.constant 0 : i32
      %dma_start3A_51 = tpu.memref_slice %arg8[%dma_start3A_49, %dma_start3A_50] : memref<10240x128xf32, #tpu.memory_space<vmem_shared>> -> memref<10240x128xf32, #tpu.memory_space<vmem_shared>>
      tpu.enqueue_indirect_dma source(%arg7 : memref<80x128xf32, #tpu.memory_space<vmem>>) target(%dma_start3A_51 : memref<10240x128xf32, #tpu.memory_space<vmem_shared>>) offsets(%dma_start3A_48 : memref<80xi32, #tpu.memory_space<vmem>>) semaphore(%arg9 : memref<!tpu.dma_semaphore, #tpu.memory_space<semaphore_mem>>) {add = true}
      %mul3A_52 = arith.constant 10 : i32
      %mul3A_53 = arith.muli %scan3A_12, %mul3A_52 : i32
      %add3A_54 = arith.constant 4 : i32
      %add3A_55 = arith.addi %mul3A_53, %add3A_54 : i32
      %dma_start3A_56 = arith.constant 0 : i32
      %dma_start3A_57 = tpu.memref_slice %arg6[%add3A_55, %dma_start3A_56] : memref<250x80xi32, #tpu.memory_space<vmem>> -> memref<1x80xi32, #tpu.memory_space<vmem>>
      %dma_start3A_58 = tpu.memref_squeeze %dma_start3A_57 : memref<1x80xi32, #tpu.memory_space<vmem>> -> memref<80xi32, #tpu.memory_space<vmem>>
      %dma_start3A_59 = arith.constant 0 : i32
      %dma_start3A_60 = arith.constant 0 : i32
      %dma_start3A_61 = tpu.memref_slice %arg8[%dma_start3A_59, %dma_start3A_60] : memref<10240x128xf32, #tpu.memory_space<vmem_shared>> -> memref<10240x128xf32, #tpu.memory_space<vmem_shared>>
      tpu.enqueue_indirect_dma source(%arg7 : memref<80x128xf32, #tpu.memory_space<vmem>>) target(%dma_start3A_61 : memref<10240x128xf32, #tpu.memory_space<vmem_shared>>) offsets(%dma_start3A_58 : memref<80xi32, #tpu.memory_space<vmem>>) semaphore(%arg9 : memref<!tpu.dma_semaphore, #tpu.memory_space<semaphore_mem>>) {add = true}
      %mul3A_62 = arith.constant 10 : i32
      %mul3A_63 = arith.muli %scan3A_12, %mul3A_62 : i32
      %add3A_64 = arith.constant 5 : i32
      %add3A_65 = arith.addi %mul3A_63, %add3A_64 : i32
      %dma_start3A_66 = arith.constant 0 : i32
      %dma_start3A_67 = tpu.memref_slice %arg6[%add3A_65, %dma_start3A_66] : memref<250x80xi32, #tpu.memory_space<vmem>> -> memref<1x80xi32, #tpu.memory_space<vmem>>
      %dma_start3A_68 = tpu.memref_squeeze %dma_start3A_67 : memref<1x80xi32, #tpu.memory_space<vmem>> -> memref<80xi32, #tpu.memory_space<vmem>>
      %dma_start3A_69 = arith.constant 0 : i32
      %dma_start3A_70 = arith.constant 0 : i32
      %dma_start3A_71 = tpu.memref_slice %arg8[%dma_start3A_69, %dma_start3A_70] : memref<10240x128xf32, #tpu.memory_space<vmem_shared>> -> memref<10240x128xf32, #tpu.memory_space<vmem_shared>>
      tpu.enqueue_indirect_dma source(%arg7 : memref<80x128xf32, #tpu.memory_space<vmem>>) target(%dma_start3A_71 : memref<10240x128xf32, #tpu.memory_space<vmem_shared>>) offsets(%dma_start3A_68 : memref<80xi32, #tpu.memory_space<vmem>>) semaphore(%arg9 : memref<!tpu.dma_semaphore, #tpu.memory_space<semaphore_mem>>) {add = true}
      %mul3A_72 = arith.constant 10 : i32
      %mul3A_73 = arith.muli %scan3A_12, %mul3A_72 : i32
      %add3A_74 = arith.constant 6 : i32
      %add3A_75 = arith.addi %mul3A_73, %add3A_74 : i32
      %dma_start3A_76 = arith.constant 0 : i32
      %dma_start3A_77 = tpu.memref_slice %arg6[%add3A_75, %dma_start3A_76] : memref<250x80xi32, #tpu.memory_space<vmem>> -> memref<1x80xi32, #tpu.memory_space<vmem>>
      %dma_start3A_78 = tpu.memref_squeeze %dma_start3A_77 : memref<1x80xi32, #tpu.memory_space<vmem>> -> memref<80xi32, #tpu.memory_space<vmem>>
      %dma_start3A_79 = arith.constant 0 : i32
      %dma_start3A_80 = arith.constant 0 : i32
      %dma_start3A_81 = tpu.memref_slice %arg8[%dma_start3A_79, %dma_start3A_80] : memref<10240x128xf32, #tpu.memory_space<vmem_shared>> -> memref<10240x128xf32, #tpu.memory_space<vmem_shared>>
      tpu.enqueue_indirect_dma source(%arg7 : memref<80x128xf32, #tpu.memory_space<vmem>>) target(%dma_start3A_81 : memref<10240x128xf32, #tpu.memory_space<vmem_shared>>) offsets(%dma_start3A_78 : memref<80xi32, #tpu.memory_space<vmem>>) semaphore(%arg9 : memref<!tpu.dma_semaphore, #tpu.memory_space<semaphore_mem>>) {add = true}
      %mul3A_82 = arith.constant 10 : i32
      %mul3A_83 = arith.muli %scan3A_12, %mul3A_82 : i32
      %add3A_84 = arith.constant 7 : i32
      %add3A_85 = arith.addi %mul3A_83, %add3A_84 : i32
      %dma_start3A_86 = arith.constant 0 : i32
      %dma_start3A_87 = tpu.memref_slice %arg6[%add3A_85, %dma_start3A_86] : memref<250x80xi32, #tpu.memory_space<vmem>> -> memref<1x80xi32, #tpu.memory_space<vmem>>
      %dma_start3A_88 = tpu.memref_squeeze %dma_start3A_87 : memref<1x80xi32, #tpu.memory_space<vmem>> -> memref<80xi32, #tpu.memory_space<vmem>>
      %dma_start3A_89 = arith.constant 0 : i32
      %dma_start3A_90 = arith.constant 0 : i32
      %dma_start3A_91 = tpu.memref_slice %arg8[%dma_start3A_89, %dma_start3A_90] : memref<10240x128xf32, #tpu.memory_space<vmem_shared>> -> memref<10240x128xf32, #tpu.memory_space<vmem_shared>>
      tpu.enqueue_indirect_dma source(%arg7 : memref<80x128xf32, #tpu.memory_space<vmem>>) target(%dma_start3A_91 : memref<10240x128xf32, #tpu.memory_space<vmem_shared>>) offsets(%dma_start3A_88 : memref<80xi32, #tpu.memory_space<vmem>>) semaphore(%arg9 : memref<!tpu.dma_semaphore, #tpu.memory_space<semaphore_mem>>) {add = true}
      %mul3A_92 = arith.constant 10 : i32
      %mul3A_93 = arith.muli %scan3A_12, %mul3A_92 : i32
      %add3A_94 = arith.constant 8 : i32
      %add3A_95 = arith.addi %mul3A_93, %add3A_94 : i32
      %dma_start3A_96 = arith.constant 0 : i32
      %dma_start3A_97 = tpu.memref_slice %arg6[%add3A_95, %dma_start3A_96] : memref<250x80xi32, #tpu.memory_space<vmem>> -> memref<1x80xi32, #tpu.memory_space<vmem>>
      %dma_start3A_98 = tpu.memref_squeeze %dma_start3A_97 : memref<1x80xi32, #tpu.memory_space<vmem>> -> memref<80xi32, #tpu.memory_space<vmem>>
      %dma_start3A_99 = arith.constant 0 : i32
      %dma_start3A_100 = arith.constant 0 : i32
      %dma_start3A_101 = tpu.memref_slice %arg8[%dma_start3A_99, %dma_start3A_100] : memref<10240x128xf32, #tpu.memory_space<vmem_shared>> -> memref<10240x128xf32, #tpu.memory_space<vmem_shared>>
      tpu.enqueue_indirect_dma source(%arg7 : memref<80x128xf32, #tpu.memory_space<vmem>>) target(%dma_start3A_101 : memref<10240x128xf32, #tpu.memory_space<vmem_shared>>) offsets(%dma_start3A_98 : memref<80xi32, #tpu.memory_space<vmem>>) semaphore(%arg9 : memref<!tpu.dma_semaphore, #tpu.memory_space<semaphore_mem>>) {add = true}
      %mul3A_102 = arith.constant 10 : i32
      %mul3A_103 = arith.muli %scan3A_12, %mul3A_102 : i32
      %add3A_104 = arith.constant 9 : i32
      %add3A_105 = arith.addi %mul3A_103, %add3A_104 : i32
      %dma_start3A_106 = arith.constant 0 : i32
      %dma_start3A_107 = tpu.memref_slice %arg6[%add3A_105, %dma_start3A_106] : memref<250x80xi32, #tpu.memory_space<vmem>> -> memref<1x80xi32, #tpu.memory_space<vmem>>
      %dma_start3A_108 = tpu.memref_squeeze %dma_start3A_107 : memref<1x80xi32, #tpu.memory_space<vmem>> -> memref<80xi32, #tpu.memory_space<vmem>>
      %dma_start3A_109 = arith.constant 0 : i32
      %dma_start3A_110 = arith.constant 0 : i32
      %dma_start3A_111 = tpu.memref_slice %arg8[%dma_start3A_109, %dma_start3A_110] : memref<10240x128xf32, #tpu.memory_space<vmem_shared>> -> memref<10240x128xf32, #tpu.memory_space<vmem_shared>>
      tpu.enqueue_indirect_dma source(%arg7 : memref<80x128xf32, #tpu.memory_space<vmem>>) target(%dma_start3A_111 : memref<10240x128xf32, #tpu.memory_space<vmem_shared>>) offsets(%dma_start3A_108 : memref<80xi32, #tpu.memory_space<vmem>>) semaphore(%arg9 : memref<!tpu.dma_semaphore, #tpu.memory_space<semaphore_mem>>) {add = true}
      %mul3A_112 = arith.constant 10 : i32
      %mul3A_113 = arith.muli %scan3A_12, %mul3A_112 : i32
      %add3A_114 = arith.constant 0 : i32
      %add3A_115 = arith.addi %mul3A_113, %add3A_114 : i32
      %dma_wait3A = arith.constant 0 : i32
      %dma_wait3A_116 = tpu.memref_slice %arg6[%add3A_115, %dma_wait3A] : memref<250x80xi32, #tpu.memory_space<vmem>> -> memref<1x80xi32, #tpu.memory_space<vmem>>
      %dma_wait3A_117 = tpu.memref_squeeze %dma_wait3A_116 : memref<1x80xi32, #tpu.memory_space<vmem>> -> memref<80xi32, #tpu.memory_space<vmem>>
      %dma_wait3A_118 = arith.constant 0 : i32
      %dma_wait3A_119 = arith.constant 0 : i32
      %dma_wait3A_120 = tpu.memref_slice %arg8[%dma_wait3A_118, %dma_wait3A_119] : memref<10240x128xf32, #tpu.memory_space<vmem_shared>> -> memref<10240x128xf32, #tpu.memory_space<vmem_shared>>
      tpu.wait_indirect_dma semaphore(%arg9 : memref<!tpu.dma_semaphore, #tpu.memory_space<semaphore_mem>>) src(%arg7 : memref<80x128xf32, #tpu.memory_space<vmem>>) dst(%dma_wait3A_120 : memref<10240x128xf32, #tpu.memory_space<vmem_shared>>)
      %mul3A_121 = arith.constant 10 : i32
      %mul3A_122 = arith.muli %scan3A_12, %mul3A_121 : i32
      %add3A_123 = arith.constant 1 : i32
      %add3A_124 = arith.addi %mul3A_122, %add3A_123 : i32
      %dma_wait3A_125 = arith.constant 0 : i32
      %dma_wait3A_126 = tpu.memref_slice %arg6[%add3A_124, %dma_wait3A_125] : memref<250x80xi32, #tpu.memory_space<vmem>> -> memref<1x80xi32, #tpu.memory_space<vmem>>
      %dma_wait3A_127 = tpu.memref_squeeze %dma_wait3A_126 : memref<1x80xi32, #tpu.memory_space<vmem>> -> memref<80xi32, #tpu.memory_space<vmem>>
      %dma_wait3A_128 = arith.constant 0 : i32
      %dma_wait3A_129 = arith.constant 0 : i32
      %dma_wait3A_130 = tpu.memref_slice %arg8[%dma_wait3A_128, %dma_wait3A_129] : memref<10240x128xf32, #tpu.memory_space<vmem_shared>> -> memref<10240x128xf32, #tpu.memory_space<vmem_shared>>
      tpu.wait_indirect_dma semaphore(%arg9 : memref<!tpu.dma_semaphore, #tpu.memory_space<semaphore_mem>>) src(%arg7 : memref<80x128xf32, #tpu.memory_space<vmem>>) dst(%dma_wait3A_130 : memref<10240x128xf32, #tpu.memory_space<vmem_shared>>)
      %mul3A_131 = arith.constant 10 : i32
      %mul3A_132 = arith.muli %scan3A_12, %mul3A_131 : i32
      %add3A_133 = arith.constant 2 : i32
      %add3A_134 = arith.addi %mul3A_132, %add3A_133 : i32
      %dma_wait3A_135 = arith.constant 0 : i32
      %dma_wait3A_136 = tpu.memref_slice %arg6[%add3A_134, %dma_wait3A_135] : memref<250x80xi32, #tpu.memory_space<vmem>> -> memref<1x80xi32, #tpu.memory_space<vmem>>
      %dma_wait3A_137 = tpu.memref_squeeze %dma_wait3A_136 : memref<1x80xi32, #tpu.memory_space<vmem>> -> memref<80xi32, #tpu.memory_space<vmem>>
      %dma_wait3A_138 = arith.constant 0 : i32
      %dma_wait3A_139 = arith.constant 0 : i32
      %dma_wait3A_140 = tpu.memref_slice %arg8[%dma_wait3A_138, %dma_wait3A_139] : memref<10240x128xf32, #tpu.memory_space<vmem_shared>> -> memref<10240x128xf32, #tpu.memory_space<vmem_shared>>
      tpu.wait_indirect_dma semaphore(%arg9 : memref<!tpu.dma_semaphore, #tpu.memory_space<semaphore_mem>>) src(%arg7 : memref<80x128xf32, #tpu.memory_space<vmem>>) dst(%dma_wait3A_140 : memref<10240x128xf32, #tpu.memory_space<vmem_shared>>)
      %mul3A_141 = arith.constant 10 : i32
      %mul3A_142 = arith.muli %scan3A_12, %mul3A_141 : i32
      %add3A_143 = arith.constant 3 : i32
      %add3A_144 = arith.addi %mul3A_142, %add3A_143 : i32
      %dma_wait3A_145 = arith.constant 0 : i32
      %dma_wait3A_146 = tpu.memref_slice %arg6[%add3A_144, %dma_wait3A_145] : memref<250x80xi32, #tpu.memory_space<vmem>> -> memref<1x80xi32, #tpu.memory_space<vmem>>
      %dma_wait3A_147 = tpu.memref_squeeze %dma_wait3A_146 : memref<1x80xi32, #tpu.memory_space<vmem>> -> memref<80xi32, #tpu.memory_space<vmem>>
      %dma_wait3A_148 = arith.constant 0 : i32
      %dma_wait3A_149 = arith.constant 0 : i32
      %dma_wait3A_150 = tpu.memref_slice %arg8[%dma_wait3A_148, %dma_wait3A_149] : memref<10240x128xf32, #tpu.memory_space<vmem_shared>> -> memref<10240x128xf32, #tpu.memory_space<vmem_shared>>
      tpu.wait_indirect_dma semaphore(%arg9 : memref<!tpu.dma_semaphore, #tpu.memory_space<semaphore_mem>>) src(%arg7 : memref<80x128xf32, #tpu.memory_space<vmem>>) dst(%dma_wait3A_150 : memref<10240x128xf32, #tpu.memory_space<vmem_shared>>)
      %mul3A_151 = arith.constant 10 : i32
      %mul3A_152 = arith.muli %scan3A_12, %mul3A_151 : i32
      %add3A_153 = arith.constant 4 : i32
      %add3A_154 = arith.addi %mul3A_152, %add3A_153 : i32
      %dma_wait3A_155 = arith.constant 0 : i32
      %dma_wait3A_156 = tpu.memref_slice %arg6[%add3A_154, %dma_wait3A_155] : memref<250x80xi32, #tpu.memory_space<vmem>> -> memref<1x80xi32, #tpu.memory_space<vmem>>
      %dma_wait3A_157 = tpu.memref_squeeze %dma_wait3A_156 : memref<1x80xi32, #tpu.memory_space<vmem>> -> memref<80xi32, #tpu.memory_space<vmem>>
      %dma_wait3A_158 = arith.constant 0 : i32
      %dma_wait3A_159 = arith.constant 0 : i32
      %dma_wait3A_160 = tpu.memref_slice %arg8[%dma_wait3A_158, %dma_wait3A_159] : memref<10240x128xf32, #tpu.memory_space<vmem_shared>> -> memref<10240x128xf32, #tpu.memory_space<vmem_shared>>
      tpu.wait_indirect_dma semaphore(%arg9 : memref<!tpu.dma_semaphore, #tpu.memory_space<semaphore_mem>>) src(%arg7 : memref<80x128xf32, #tpu.memory_space<vmem>>) dst(%dma_wait3A_160 : memref<10240x128xf32, #tpu.memory_space<vmem_shared>>)
      %mul3A_161 = arith.constant 10 : i32
      %mul3A_162 = arith.muli %scan3A_12, %mul3A_161 : i32
      %add3A_163 = arith.constant 5 : i32
      %add3A_164 = arith.addi %mul3A_162, %add3A_163 : i32
      %dma_wait3A_165 = arith.constant 0 : i32
      %dma_wait3A_166 = tpu.memref_slice %arg6[%add3A_164, %dma_wait3A_165] : memref<250x80xi32, #tpu.memory_space<vmem>> -> memref<1x80xi32, #tpu.memory_space<vmem>>
      %dma_wait3A_167 = tpu.memref_squeeze %dma_wait3A_166 : memref<1x80xi32, #tpu.memory_space<vmem>> -> memref<80xi32, #tpu.memory_space<vmem>>
      %dma_wait3A_168 = arith.constant 0 : i32
      %dma_wait3A_169 = arith.constant 0 : i32
      %dma_wait3A_170 = tpu.memref_slice %arg8[%dma_wait3A_168, %dma_wait3A_169] : memref<10240x128xf32, #tpu.memory_space<vmem_shared>> -> memref<10240x128xf32, #tpu.memory_space<vmem_shared>>
      tpu.wait_indirect_dma semaphore(%arg9 : memref<!tpu.dma_semaphore, #tpu.memory_space<semaphore_mem>>) src(%arg7 : memref<80x128xf32, #tpu.memory_space<vmem>>) dst(%dma_wait3A_170 : memref<10240x128xf32, #tpu.memory_space<vmem_shared>>)
      %mul3A_171 = arith.constant 10 : i32
      %mul3A_172 = arith.muli %scan3A_12, %mul3A_171 : i32
      %add3A_173 = arith.constant 6 : i32
      %add3A_174 = arith.addi %mul3A_172, %add3A_173 : i32
      %dma_wait3A_175 = arith.constant 0 : i32
      %dma_wait3A_176 = tpu.memref_slice %arg6[%add3A_174, %dma_wait3A_175] : memref<250x80xi32, #tpu.memory_space<vmem>> -> memref<1x80xi32, #tpu.memory_space<vmem>>
      %dma_wait3A_177 = tpu.memref_squeeze %dma_wait3A_176 : memref<1x80xi32, #tpu.memory_space<vmem>> -> memref<80xi32, #tpu.memory_space<vmem>>
      %dma_wait3A_178 = arith.constant 0 : i32
      %dma_wait3A_179 = arith.constant 0 : i32
      %dma_wait3A_180 = tpu.memref_slice %arg8[%dma_wait3A_178, %dma_wait3A_179] : memref<10240x128xf32, #tpu.memory_space<vmem_shared>> -> memref<10240x128xf32, #tpu.memory_space<vmem_shared>>
      tpu.wait_indirect_dma semaphore(%arg9 : memref<!tpu.dma_semaphore, #tpu.memory_space<semaphore_mem>>) src(%arg7 : memref<80x128xf32, #tpu.memory_space<vmem>>) dst(%dma_wait3A_180 : memref<10240x128xf32, #tpu.memory_space<vmem_shared>>)
      %mul3A_181 = arith.constant 10 : i32
      %mul3A_182 = arith.muli %scan3A_12, %mul3A_181 : i32
      %add3A_183 = arith.constant 7 : i32
      %add3A_184 = arith.addi %mul3A_182, %add3A_183 : i32
      %dma_wait3A_185 = arith.constant 0 : i32
      %dma_wait3A_186 = tpu.memref_slice %arg6[%add3A_184, %dma_wait3A_185] : memref<250x80xi32, #tpu.memory_space<vmem>> -> memref<1x80xi32, #tpu.memory_space<vmem>>
      %dma_wait3A_187 = tpu.memref_squeeze %dma_wait3A_186 : memref<1x80xi32, #tpu.memory_space<vmem>> -> memref<80xi32, #tpu.memory_space<vmem>>
      %dma_wait3A_188 = arith.constant 0 : i32
      %dma_wait3A_189 = arith.constant 0 : i32
      %dma_wait3A_190 = tpu.memref_slice %arg8[%dma_wait3A_188, %dma_wait3A_189] : memref<10240x128xf32, #tpu.memory_space<vmem_shared>> -> memref<10240x128xf32, #tpu.memory_space<vmem_shared>>
      tpu.wait_indirect_dma semaphore(%arg9 : memref<!tpu.dma_semaphore, #tpu.memory_space<semaphore_mem>>) src(%arg7 : memref<80x128xf32, #tpu.memory_space<vmem>>) dst(%dma_wait3A_190 : memref<10240x128xf32, #tpu.memory_space<vmem_shared>>)
      %mul3A_191 = arith.constant 10 : i32
      %mul3A_192 = arith.muli %scan3A_12, %mul3A_191 : i32
      %add3A_193 = arith.constant 8 : i32
      %add3A_194 = arith.addi %mul3A_192, %add3A_193 : i32
      %dma_wait3A_195 = arith.constant 0 : i32
      %dma_wait3A_196 = tpu.memref_slice %arg6[%add3A_194, %dma_wait3A_195] : memref<250x80xi32, #tpu.memory_space<vmem>> -> memref<1x80xi32, #tpu.memory_space<vmem>>
      %dma_wait3A_197 = tpu.memref_squeeze %dma_wait3A_196 : memref<1x80xi32, #tpu.memory_space<vmem>> -> memref<80xi32, #tpu.memory_space<vmem>>
      %dma_wait3A_198 = arith.constant 0 : i32
      %dma_wait3A_199 = arith.constant 0 : i32
      %dma_wait3A_200 = tpu.memref_slice %arg8[%dma_wait3A_198, %dma_wait3A_199] : memref<10240x128xf32, #tpu.memory_space<vmem_shared>> -> memref<10240x128xf32, #tpu.memory_space<vmem_shared>>
      tpu.wait_indirect_dma semaphore(%arg9 : memref<!tpu.dma_semaphore, #tpu.memory_space<semaphore_mem>>) src(%arg7 : memref<80x128xf32, #tpu.memory_space<vmem>>) dst(%dma_wait3A_200 : memref<10240x128xf32, #tpu.memory_space<vmem_shared>>)
      %mul3A_201 = arith.constant 10 : i32
      %mul3A_202 = arith.muli %scan3A_12, %mul3A_201 : i32
      %add3A_203 = arith.constant 9 : i32
      %add3A_204 = arith.addi %mul3A_202, %add3A_203 : i32
      %dma_wait3A_205 = arith.constant 0 : i32
      %dma_wait3A_206 = tpu.memref_slice %arg6[%add3A_204, %dma_wait3A_205] : memref<250x80xi32, #tpu.memory_space<vmem>> -> memref<1x80xi32, #tpu.memory_space<vmem>>
      %dma_wait3A_207 = tpu.memref_squeeze %dma_wait3A_206 : memref<1x80xi32, #tpu.memory_space<vmem>> -> memref<80xi32, #tpu.memory_space<vmem>>
      %dma_wait3A_208 = arith.constant 0 : i32
      %dma_wait3A_209 = arith.constant 0 : i32
      %dma_wait3A_210 = tpu.memref_slice %arg8[%dma_wait3A_208, %dma_wait3A_209] : memref<10240x128xf32, #tpu.memory_space<vmem_shared>> -> memref<10240x128xf32, #tpu.memory_space<vmem_shared>>
      tpu.wait_indirect_dma semaphore(%arg9 : memref<!tpu.dma_semaphore, #tpu.memory_space<semaphore_mem>>) src(%arg7 : memref<80x128xf32, #tpu.memory_space<vmem>>) dst(%dma_wait3A_210 : memref<10240x128xf32, #tpu.memory_space<vmem_shared>>)
      %scan3A_211 = arith.constant 0 : i32
      scf.yield %scan3A_211 : i32
    }
    %scan3A_6 = arith.constant 25 : i32
    %barrier3A_7 = arith.constant 0 : index
    tpu.barrier barrier_id(%barrier3A_7)
    %mul3A_8 = arith.constant 640 : i32
    %mul3A_9 = arith.muli %arg1, %mul3A_8 : i32
    %mul3A_10 = arith.constant 640 : i32
    %mul3A_11 = arith.muli %arg1, %mul3A_10 : i32
    "tpu.region"() ({
      %run_scoped3A = tpu.sem_alloc : memref<!tpu.dma_semaphore, #tpu.memory_space<semaphore_mem>>
      %dma_start3A = arith.constant 0 : i32
      %dma_start3A_12 = tpu.memref_slice %arg5[%arg0, %mul3A_11, %dma_start3A] : memref<2x10240x128xf32, #tpu.memory_space<hbm>> -> memref<1x640x128xf32, #tpu.memory_space<hbm>>
      %dma_start3A_13 = tpu.memref_squeeze %dma_start3A_12 : memref<1x640x128xf32, #tpu.memory_space<hbm>> -> memref<640x128xf32, #tpu.memory_space<hbm>>
      %dma_start3A_14 = arith.constant 0 : i32
      %dma_start3A_15 = tpu.memref_slice %arg8[%mul3A_9, %dma_start3A_14] : memref<10240x128xf32, #tpu.memory_space<vmem_shared>> -> memref<640x128xf32, #tpu.memory_space<vmem_shared>>
      tpu.enqueue_dma source(%dma_start3A_15 : memref<640x128xf32, #tpu.memory_space<vmem_shared>>) target(%dma_start3A_13 : memref<640x128xf32, #tpu.memory_space<hbm>>) target_semaphore(%run_scoped3A : memref<!tpu.dma_semaphore, #tpu.memory_space<semaphore_mem>>)
      %dma_wait3A = arith.constant 0 : i32
      %dma_wait3A_16 = tpu.memref_slice %arg5[%arg0, %mul3A_11, %dma_wait3A] : memref<2x10240x128xf32, #tpu.memory_space<hbm>> -> memref<1x640x128xf32, #tpu.memory_space<hbm>>
      %dma_wait3A_17 = tpu.memref_squeeze %dma_wait3A_16 : memref<1x640x128xf32, #tpu.memory_space<hbm>> -> memref<640x128xf32, #tpu.memory_space<hbm>>
      %dma_wait3A_18 = arith.constant 0 : i32
      %dma_wait3A_19 = tpu.memref_slice %arg8[%mul3A_9, %dma_wait3A_18] : memref<10240x128xf32, #tpu.memory_space<vmem_shared>> -> memref<640x128xf32, #tpu.memory_space<vmem_shared>>
      tpu.wait_dma2 semaphore(%run_scoped3A : memref<!tpu.dma_semaphore, #tpu.memory_space<semaphore_mem>>) src(%dma_wait3A_19 : memref<640x128xf32, #tpu.memory_space<vmem_shared>>) dst(%dma_wait3A_17 : memref<640x128xf32, #tpu.memory_space<hbm>>)
      tpu.yield
    }) : () -> ()
    return
  }
}

</mosaic_0001>

<sc_bundles>
// kernel: _deg_call.3.cloned.1.call-start
scs
__scs_entry_jumppad:
0x0: {  	(pc) =	sbr.rel $0x88, $3  }
0x1: {  	(tag) =	ssettag $0x0;
	lr =	simm.s32 $0x1  }
0x2: {  	[smem:$0x3F9E] =	sst lr;
	_ =	strace $0xD0000000  }
0x3: {  	_ = 	snop  }
0x4: {  	_ = 	snop  }
0x5: {  	_ = 	snop  }
0x6: {  	_ = 	snop  }
0x7: {  	_ = 	snop  }
__scs_overlays_trampoline_lowered:
0x8: {  	[smem:$0x3FAD] =	sst s0  }
0x9: {  	[smem:$0x3FAE] =	sst s1  }
0xa: {  	[smem:$0x3FAF] =	sst s2  }
0xb: {  	[smem:$0x3FB0] =	sst s3  }
0xc: {  	[smem:$0x3FB1] =	sst s4  }
0xd: {  	[smem:$0x3FB2] =	sst s5  }
0xe: {  	[smem:$0x3FB3] =	sst s6  }
0xf: {  	[smem:$0x3FB4] =	sst s7  }
0x10: {  	[smem:$0x3FB5] =	sst s8  }
0x11: {  	[smem:$0x3FB6] =	sst s9;
	s0 =	simm.s32 @!p0 $0x0  }
0x12: {  	s1 =	sld [smem:$0x3F9C];
	s0 =	simm.s32 @p0 $0x1  }
0x13: {  	[smem:$0x3FB7] =	sst s0;
	s0 =	simm.s32 @!p1 $0x0  }
0x14: {  	s2 =	sld [smem:$0x3F9B];
	s0 =	simm.s32 @p1 $0x1  }
0x15: {  	[smem:$0x3FB8] =	sst s0;
	s0 =	simm.s32 @!p2 $0x0  }
0x16: {  	s3 =	sld [smem:$0x3FDB];
	s0 =	simm.s32 @p2 $0x1  }
0x17: {  	s4 =	simm.s32 $0x1BF5;
	[smem:$0x3FBA] =	sst s0  }
0x18: {  	s0 =	sld [smem:$0x3F9D];
	_ =	swait.ge [sflag:s4], $0x0  }
0x19: {  	s7 =	sld [smem:$0x3F9E]  }
0x1a: {  	s8 =	sadd.s32 $0xFFFFE003, lr  }
0x1b: {  	s9 =	sadd.s32 $0xFFFFFEF7, lr;
	s5 =	simm.s32 $0xFFFFFFFF;
	p2 =	slt.u32 s8, $0xFFFFF086  }
0x1c: {  	p1 =	slt.u32 s9, $0xF7A;
	s5 =	simm.s32 @!p2 $0x0  }
0x1d: {  	s5 =	simm.s32 @p1 $0x1;
	p0 =	seq.s32 s7, s2  }
0x1e: {  	s7 =	smul.u32 @!p0 $0xF7A, s2;
	p2 =	seq.s32 @!p0 s5, $0x0  }
0x1f: {  	s9 =	smul.u32 $0xF7A, s1;
	s8 =	simm.s32 @!p0 $0x1BF5;
	p2 =	por !p2, p0  }
0x20: {  	[sflag:s8] =	ssyncset.s32 @!p0 $0xFFFFF086;
	s6 =	sadd.s32 @!p0 s3, s7;
	s7 =	simm.s32 @!p0 $0x108  }
0x21: {  	s3 =	sadd.s32 s3, s9;
	s6 =	sadd.s32 @!p0 $0x88, s6;
	s7 =	simm.s32 @p2 $0x1082  }
0x22: {  	[simem:s7], [sflag:s8] =	dma.local @!p0 [hbm:s6], $0xF7A  }
0x23: {  	s9 =	sor.u32 $0xD0000000, s2;
	s6 =	simm.s32 $0x108;
	_ =	swait.ge @!p0 [sflag:s8], $0x0  }
0x24: {  	s3 =	sadd.s32 $0x88, s3;
	s6 =	simm.s32 @!p1 $0x1082;
	[sflag:s4] =	ssyncset.s32 $0xFFFFF086  }
0x25: {  	[simem:s6], [sflag:s4] =	dma.local [hbm:s3], $0xF7A  }
0x26: {  	[smem:$0x3F9E] =	sst s1;
	(tag) =	ssettag s2;
	_ =	strace s9  }
0x27: {  	s1 =	sld [smem:$0x3FAE]  }
0x28: {  	s2 =	sld [smem:$0x3FAF]  }
0x29: {  	s4 =	sld [smem:$0x3FB1]  }
0x2a: {  	p0 =	seq.s32 s5, $0x0;
	s5 =	sld [smem:$0x3FB2]  }
0x2b: {  	s6 =	sld [smem:$0x3FB3]  }
0x2c: {  	s7 =	sld [smem:$0x3FB4]  }
0x2d: {  	s3 =	simm.s32 $0x108;
	s8 =	sld [smem:$0x3FB5]  }
0x2e: {  	s3 =	simm.s32 @!p0 $0x1082;
	s9 =	sld [smem:$0x3FB6]  }
0x2f: {  	lr =	sadd.s32 s0, s3;
	s0 =	sld [smem:$0x3FAD]  }
0x30: {  	s3 =	sld [smem:$0x3FB0]  }
0x31: {  	[smem:$0x3FB9] =	sst s10  }
0x32: {  	s10 =	sld [smem:$0x3FB7];
	_ =	sdelay $0x3  }
0x33: {  	p0 =	seq.s32 s10, $0x1;
	s10 =	sld [smem:$0x3FB9];
	_ =	sdelay $0x3  }
0x34: {  	[smem:$0x3FB9] =	sst s10  }
0x35: {  	s10 =	sld [smem:$0x3FB8];
	_ =	sdelay $0x3  }
0x36: {  	p1 =	seq.s32 s10, $0x1;
	s10 =	sld [smem:$0x3FB9];
	_ =	sdelay $0x3  }
0x37: {  	[smem:$0x3FB9] =	sst s10  }
0x38: {  	s10 =	sld [smem:$0x3FBA]  }
0x39: {  	_ = 	snop;
	(pc) =	sbr.ind lr, $3  }
0x3a: {  	_ = 	snop  }
0x3b: {  	_ = 	snop  }
0x3c: {  	p2 =	seq.s32 s10, $0x1;
	s10 =	sld [smem:$0x3FB9]  }
0x3d: {  	_ =	shalt  }
0x3e: {  	_ =	shalt  }
0x3f: {  	_ =	shalt  }
0x40: {  	_ =	shalt  }
0x41: {  	_ =	shalt  }
0x42: {  	_ =	shalt  }
0x43: {  	_ =	shalt  }
0x44: {  	_ =	shalt  }
0x45: {  	_ =	shalt  }
0x46: {  	_ =	shalt  }
0x47: {  	_ =	shalt  }
0x48: {  	_ =	shalt  }
0x49: {  	_ =	shalt  }
0x4a: {  	_ =	shalt  }
0x4b: {  	_ =	shalt  }
0x4c: {  	_ =	shalt  }
0x4d: {  	_ =	shalt  }
0x4e: {  	_ =	shalt  }
0x4f: {  	_ =	shalt  }
0x50: {  	_ =	shalt  }
0x51: {  	_ =	shalt  }
0x52: {  	_ =	shalt  }
0x53: {  	_ =	shalt  }
0x54: {  	_ =	shalt  }
0x55: {  	_ =	shalt  }
0x56: {  	_ =	shalt  }
0x57: {  	_ =	shalt  }
0x58: {  	_ =	shalt  }
0x59: {  	_ =	shalt  }
0x5a: {  	_ =	shalt  }
0x5b: {  	_ =	shalt  }
0x5c: {  	_ =	shalt  }
0x5d: {  	_ =	shalt  }
0x5e: {  	_ =	shalt  }
0x5f: {  	_ =	shalt  }
0x60: {  	_ =	shalt  }
0x61: {  	_ =	shalt  }
0x62: {  	_ =	shalt  }
0x63: {  	_ =	shalt  }
0x64: {  	_ =	shalt  }
0x65: {  	_ =	shalt  }
0x66: {  	_ =	shalt  }
0x67: {  	_ =	shalt  }
0x68: {  	_ =	shalt  }
0x69: {  	_ =	shalt  }
0x6a: {  	_ =	shalt  }
0x6b: {  	_ =	shalt  }
0x6c: {  	_ =	shalt  }
0x6d: {  	_ =	shalt  }
0x6e: {  	_ =	shalt  }
0x6f: {  	_ =	shalt  }
0x70: {  	_ =	shalt  }
0x71: {  	_ =	shalt  }
0x72: {  	_ =	shalt  }
0x73: {  	_ =	shalt  }
0x74: {  	_ =	shalt  }
0x75: {  	_ =	shalt  }
0x76: {  	_ =	shalt  }
0x77: {  	_ =	shalt  }
0x78: {  	_ =	shalt  }
0x79: {  	_ =	shalt  }
0x7a: {  	_ =	shalt  }
0x7b: {  	_ =	shalt  }
0x7c: {  	_ =	shalt  }
0x7d: {  	_ =	shalt  }
0x7e: {  	_ =	shalt  }
0x7f: {  	_ =	shalt  }
0x80: {  	_ =	shalt  }
0x81: {  	_ =	shalt  }
0x82: {  	_ =	shalt  }
0x83: {  	_ =	shalt  }
0x84: {  	_ =	shalt  }
0x85: {  	_ =	shalt  }
0x86: {  	_ =	shalt  }
0x87: {  	_ =	shalt  }
.Lfunc_end0:
.L_simem_size_0:
called_computation_lowered:
.L_overlay_start_0:
0x88: {  	s2 =	sld [smem:$0x3FD9]  }
0x89: {  	s3 =	sld [smem:$0x3FFE];
	_ =	sdelay $0x1  }
0x8a: {  	s1 =	srdreg.scid  }
0x8b: {  	s0 =	sand.u32 $0x1, s1  }
0x8c: {  	s17 =	sshll.u32 s0, $0xA;
	s2 =	sadd.s32 s3, s2  }
0x8d: {  	s2 =	sadd.s32 s2, s17  }
0x8e: {  	[smem:$0x3FC5] =	sst s2  }
0x8f: {  	_ = 	snop  }
0x90: {  	s2 =	sld [smem:$0x3FC8]  }
0x91: {  	s18 =	sld [smem:$0x3FC7]  }
0x92: {  	s4 =	sld [smem:$0x3FD0];
	(tm) =	ssettm $0x1  }
0x93: {  	s5 =	sld [smem:$0x3FFB];
	_ =	sdelay $0x3  }
0x94: {  	_ =	strace s5  }
0x95: {  	s5 =	sld [smem:$0x3FFC];
	_ =	sdelay $0x3  }
0x96: {  	_ =	strace s5  }
0x97: {  	s5 =	sld [smem:$0x3FFD];
	_ =	sdelay $0x3  }
0x98: {  	_ =	strace s5  }
0x99: {  	_ =	strace $0x8FFFFFFF  }
0x9a: {  	s19 =	sld [smem:$0x3FDB];
	_ =	sdelay $0x1  }
0x9b: {  	s6 =	simm.s32 $_scs_section_size  }
0x9c: {  	s7 =	simm.s32 $_size__tile_overlayer_lowered;
	s8 =	simm.s32 $_tile_overlayer_lowered  }
0x9d: {  	s22 =	simm.s32 $0x1BFF;
	s21 =	sshll.u32 s8, $0x1;
	s5 =	sadd.s32 s6, s19  }
0x9e: {  	s9 =	simm.s32 $0x0;
	s20 =	sshll.u32 s7, $0x1;
	s7 =	sadd.s32 s21, s5  }
0x9f: {  	[timem:s9], [sflag:s22] =	dma.local [hbm:s7], s20  }
0xa0: {  	_ =	swait.ge [sflag:s22], s20  }
0xa1: {  	s6 =	ssub.s32 $0x0, s20;
	[sflag:s22] =	ssyncset.done $0x0  }
0xa2: {  	[sflag:s22] =	ssyncadd.s32 s6;
	_ =	sdelay $0x1  }
0xa3: {  	s23 =	simm.s32 $0x1B8B  }
0xa4: {  	_ =	swait.ge [sflag:s23], $0x1  }
0xa5: {  	[sflag:s23] =	ssyncset.done $0x0  }
0xa6: {  	s25 =	simm.s32 $0x1B8E;
	s24 =	sld [smem:$0x3FFE];
	[sflag:s23] =	ssyncadd.s32 $0xFFFFFFFF  }
0xa7: {  	s26 =	simm.s32 $execute0_lowered;
	[smem:$0x3FD2] =	sst s25  }
0xa8: {  	s7 =	sshll.u32 s26, $0x1;
	_ =	strace $0x80000046;
	[dreg:$0x1] =	wrdreg $0xFFFFFFFF  }
0xa9: {  	s28 =	simm.s32 $_size_execute0_lowered;
	s5 =	sadd.s32 s5, s7;
	[dreg:$0x0] =	wrdreg $0x0  }
0xaa: {  	s7 =	sshll.u32 s28, $0x1;
	[dreg:$0x2] =	wrdreg s5  }
0xab: {  	[dreg:$0x3] =	wrdreg s7  }
0xac: {  	[dreg:$0x4] =	wrdreg $0xC0  }
0xad: {  	_ =	task [dreg:s9], $0x5FFFF  }
0xae: {  	[dreg:$0x1] =	wrdreg $0xFFFFFFFF  }
0xaf: {  	[dreg:$0x0] =	wrdreg $0x60  }
0xb0: {  	[dreg:$0x2] =	wrdreg s24  }
0xb1: {  	[dreg:$0x3] =	wrdreg s2  }
0xb2: {  	[dreg:$0x4] =	wrdreg s18  }
0xb3: {  	[dreg:$0x5] =	wrdreg s4  }
0xb4: {  	[dreg:$0x6] =	wrdreg $0xA8000  }
0xb5: {  	[dreg:$0x7] =	wrdreg $0x9  }
0xb6: {  	_ =	task.clear_ibuf [dreg:s9], $0x8FFFF;
	_ =	strace $0x90000046  }
0xb7: {  	s29 =	simm.s32 $0x9;
	_ =	strace $0x80000048  }
0xb8: {  	_ =	swait.ge [sflag:s29], $0x1  }
0xb9: {  	[sflag:s29] =	ssyncadd.s32 $0xFFFFFFFF  }
0xba: {  	_ =	strace $0x90000048  }
0xbb: {  	_ =	sfence  }
0xbc: {  	s30 =	sld [smem:$0x0];
	_ =	sdelay $0x2  }
0xbd: {  	s31 =	sshll.u32 s1, $0xD;
	s1 =	sshrl.u32 s1, $0x2  }
0xbe: {  	s3 =	sand.u32 $0x4000, s31;
	s1 =	sadd.s32 s1, s30  }
0xbf: {  	s0 =	sor.u32 s3, s0;
	s1 =	sshll.u32 s1, $0x11  }
0xc0: {  	s0 =	sor.u32 s1, s0  }
0xc1: {  	s0 =	sadd.s32 $0x8F2B, s0  }
0xc2: {  	[sflag:s0] =	ssyncadd.remote.s32 $0x1  }
0xc3: {  	_ =	sfence.sel $0xFFFF  }
0xc4: {  	[dreg:$0x0] =	wrdreg $0xFFFFFFFF;
	(pc) =	sbr.abs _section_cstart, $3  }
0xc5: {  	[dreg:$0x1] =	wrdreg $0xFFFFFFFF  }
0xc6: {  	_ =	task.clear_ibuf [dreg:s9], $0x2FFFF;
	_ =	strace $0x9FFFFFFF  }
0xc7: {  	(tm) =	ssettm $0x7FFFFFFF  }
tec
execute0_lowered:
.L_overlay_start_1:
0x0: {  	(tag) =	ssettag $0x1  }
0x1: {  	s6 =	rddreg [dreg:$0x0]  }
0x2: {  	s1 =	rddreg [dreg:$0x1]  }
0x3: {  	s2 =	rddreg [dreg:$0x2]  }
0x4: {  	s7 =	rddreg [dreg:$0x3]  }
0x5: {  	s3 =	rddreg [dreg:$0x4]  }
0x6: {  	s0 =	rddreg [dreg:$0x5];
	s4 =	simm.s32 $0x0;
	s5 =	srdreg.scid  }
0x7: {  	[smem:$0x7FF] =	sst s4;
	s8 =	sand.u32 $0x1, s5  }
0x8: {  	s14 =	simm.s32 $0x1;
	s5 =	stileid.u32;
	s9 =	smul.u32 $0x140000, s8  }
0x9: {  	s15 =	simm.s32 $0x0;
	_ =	strace $0x80000047;
	s12 =	smul.u32 $0x14000, s5  }
0xa: {  	s10 =	sshll.u32 s5, $0xC;
	s11 =	ssub.s32 $0x2, s8;
	s13 =	smul.u32 $0x50000, s5  }
0xb: {  	s8 =	sshll.u32 s8, $0x10;
	s31 =	sshll.u32 s5, $0x6;
	s28 =	sshrl.u32 s11, $0x1  }
0xc: {  	s6 =	sadd.s32 s10, s6;
	s10 =	ssub.s32 s11, s28;
	s9 =	sadd.s32 s12, s9  }
0xd: {  	s6 =	sadd.s32 s8, s6;
	s29 =	sshrl.u32 s13, $0x2;
	s11 =	sor.u32 $0x1C02, s31  }
0xe: {  	s13 =	simm.s32 $0x50;
	s9 =	sshrl.u32 s9, $0x3;
	s6 =	sadd.s32 $0x400, s6  }
0xf: {  	s30 =	sadd.s32 s29, s3;
	s8 =	smax.u32 s10, $0x1;
	s10 =	simm.s32 $0x8000  }
0x10: {  	s7 =	sadd.s32 s7, s9;
	s9 =	simm.s32 $0x2;
	s12 =	sshrl.u32 s30, $0x3  }
.LBB2_1:
0x11: {  	[tilespmem:s4], [sflag:$0x2] =	stream.linear.gather [hbm4b:s6+s4], $0x7D00, $0x38;
	[tilespmem:$0x1E800] =	vst v63  }
0x12: {  	_ =	swait.ge [sflag:s9], $0x7D00  }
0x13: {  	[sflag:s9] =	ssyncset.done $0x0  }
0x14: {  	[sflag:s9] =	ssyncadd.s32 $0xFFFF8300  }
0x15: {  	[tilespmem:s10], [sflag:$0x2] =	stream.linear.gather [hbm4b:s1+s4], $0x2800, $0x38;
	[tilespmem:$0x1E800] =	vst v63  }
0x16: {  	_ =	swait.ge [sflag:s9], $0x2800  }
0x17: {  	[sflag:s9] =	ssyncset.done $0x0  }
0x18: {  	[sflag:s9] =	ssyncadd.s32 $0xFFFFD800  }
0x19: {  	[spmem:s12], [sflag:s11] =	dma.local [hbm:s2], $0x2800  }
0x1a: {  	_ =	swait.ge [sflag:s9], $0x2800  }
0x1b: {  	[sflag:s9] =	ssyncset.done $0x0  }
0x1c: {  	[sflag:s9] =	ssyncadd.s32 $0xFFFFD800  }
0x1d: {  	s16 =	simm.s32 $0x0;
	[bflag:$0x0] =	sbarrier.arrive $0xFFFF  }
0x1e: {  	[spmem:s3] =	stream.indirect.scatter.add.f32 [tilespmem:s10], [sflag:$0x1], $0x80, s16, s13, $0xb8;
	[tilespmem:$0x1E800] =	vst v63  }
0x1f: {  	s22 =	simm.s32 $0x80  }
0x20: {  	[spmem:s3] =	stream.indirect.scatter.add.f32 [tilespmem:s10], [sflag:$0x1], $0x80, s22, s13, $0xb8;
	[tilespmem:$0x1E800] =	vst v63  }
0x21: {  	s23 =	simm.s32 $0x100  }
0x22: {  	[spmem:s3] =	stream.indirect.scatter.add.f32 [tilespmem:s10], [sflag:$0x1], $0x80, s23, s13, $0xb8;
	[tilespmem:$0x1E800] =	vst v63  }
0x23: {  	s24 =	simm.s32 $0x180  }
0x24: {  	[spmem:s3] =	stream.indirect.scatter.add.f32 [tilespmem:s10], [sflag:$0x1], $0x80, s24, s13, $0xb8;
	[tilespmem:$0x1E800] =	vst v63  }
0x25: {  	s25 =	simm.s32 $0x200  }
0x26: {  	[spmem:s3] =	stream.indirect.scatter.add.f32 [tilespmem:s10], [sflag:$0x1], $0x80, s25, s13, $0xb8;
	[tilespmem:$0x1E800] =	vst v63  }
0x27: {  	s26 =	simm.s32 $0x280  }
0x28: {  	[spmem:s3] =	stream.indirect.scatter.add.f32 [tilespmem:s10], [sflag:$0x1], $0x80, s26, s13, $0xb8;
	[tilespmem:$0x1E800] =	vst v63  }
0x29: {  	s28 =	simm.s32 $0x300  }
0x2a: {  	[spmem:s3] =	stream.indirect.scatter.add.f32 [tilespmem:s10], [sflag:$0x1], $0x80, s28, s13, $0xb8;
	[tilespmem:$0x1E800] =	vst v63  }
0x2b: {  	s29 =	simm.s32 $0x380  }
0x2c: {  	[spmem:s3] =	stream.indirect.scatter.add.f32 [tilespmem:s10], [sflag:$0x1], $0x80, s29, s13, $0xb8;
	[tilespmem:$0x1E800] =	vst v63  }
0x2d: {  	s30 =	simm.s32 $0x400  }
0x2e: {  	[spmem:s3] =	stream.indirect.scatter.add.f32 [tilespmem:s10], [sflag:$0x1], $0x80, s30, s13, $0xb8;
	[tilespmem:$0x1E800] =	vst v63  }
0x2f: {  	s31 =	simm.s32 $0x480  }
0x30: {  	[spmem:s3] =	stream.indirect.scatter.add.f32 [tilespmem:s10], [sflag:$0x1], $0x80, s31, s13, $0xb8;
	[tilespmem:$0x1E800] =	vst v63  }
0x31: {  	_ =	swait.ge [sflag:s14], $0x2800  }
0x32: {  	[sflag:s14] =	ssyncset.done $0x0  }
0x33: {  	[sflag:s14] =	ssyncadd.s32 $0xFFFFD800  }
0x34: {  	_ =	swait.ge [sflag:s14], $0x2800  }
0x35: {  	[sflag:s14] =	ssyncset.done $0x0  }
0x36: {  	[sflag:s14] =	ssyncadd.s32 $0xFFFFD800  }
0x37: {  	_ =	swait.ge [sflag:s14], $0x2800  }
0x38: {  	[sflag:s14] =	ssyncset.done $0x0  }
0x39: {  	[sflag:s14] =	ssyncadd.s32 $0xFFFFD800  }
0x3a: {  	_ =	swait.ge [sflag:s14], $0x2800  }
0x3b: {  	[sflag:s14] =	ssyncset.done $0x0  }
0x3c: {  	[sflag:s14] =	ssyncadd.s32 $0xFFFFD800  }
0x3d: {  	_ =	swait.ge [sflag:s14], $0x2800  }
0x3e: {  	[sflag:s14] =	ssyncset.done $0x0  }
0x3f: {  	[sflag:s14] =	ssyncadd.s32 $0xFFFFD800  }
0x40: {  	_ =	swait.ge [sflag:s14], $0x2800  }
0x41: {  	[sflag:s14] =	ssyncset.done $0x0  }
0x42: {  	[sflag:s14] =	ssyncadd.s32 $0xFFFFD800  }
0x43: {  	_ =	swait.ge [sflag:s14], $0x2800  }
0x44: {  	[sflag:s14] =	ssyncset.done $0x0  }
0x45: {  	[sflag:s14] =	ssyncadd.s32 $0xFFFFD800  }
0x46: {  	_ =	swait.ge [sflag:s14], $0x2800  }
0x47: {  	[sflag:s14] =	ssyncset.done $0x0  }
0x48: {  	[sflag:s14] =	ssyncadd.s32 $0xFFFFD800  }
0x49: {  	_ =	swait.ge [sflag:s14], $0x2800  }
0x4a: {  	[sflag:s14] =	ssyncset.done $0x0  }
0x4b: {  	[sflag:s14] =	ssyncadd.s32 $0xFFFFD800  }
0x4c: {  	_ =	swait.ge [sflag:s14], $0x2800  }
0x4d: {  	s18 =	simm.s32 $0x2800;
	s16 =	simm.s32 $0x1400;
	[sflag:s14] =	ssyncset.done $0x0  }
.LBB2_2:
0x4e: {  	s19 =	sshra.s32 s16, $0x2  }
0x4f: {  	[sflag:s14] =	ssyncadd.s32 $0xFFFFD800;
	s16 =	smov.u32 s18;
	s17 =	sadd.s32 $0x1400, s18  }
0x50: {  	[spmem:s3] =	stream.indirect.scatter.add.f32 [tilespmem:s10], [sflag:$0x1], $0x80, s19, s13, $0xb8;
	[tilespmem:$0x1E800] =	vst v63  }
0x51: {  	p0 =	sne.s32 s18, $0x1E000;
	s18 =	sadd.s32 $0x80, s19  }
0x52: {  	[spmem:s3] =	stream.indirect.scatter.add.f32 [tilespmem:s10], [sflag:$0x1], $0x80, s18, s13, $0xb8;
	[tilespmem:$0x1E800] =	vst v63  }
0x53: {  	s18 =	sadd.s32 $0x100, s19  }
0x54: {  	[spmem:s3] =	stream.indirect.scatter.add.f32 [tilespmem:s10], [sflag:$0x1], $0x80, s18, s13, $0xb8;
	[tilespmem:$0x1E800] =	vst v63  }
0x55: {  	s18 =	sadd.s32 $0x180, s19  }
0x56: {  	[spmem:s3] =	stream.indirect.scatter.add.f32 [tilespmem:s10], [sflag:$0x1], $0x80, s18, s13, $0xb8;
	[tilespmem:$0x1E800] =	vst v63  }
0x57: {  	s18 =	sadd.s32 $0x200, s19  }
0x58: {  	[spmem:s3] =	stream.indirect.scatter.add.f32 [tilespmem:s10], [sflag:$0x1], $0x80, s18, s13, $0xb8;
	[tilespmem:$0x1E800] =	vst v63  }
0x59: {  	s18 =	sadd.s32 $0x280, s19  }
0x5a: {  	[spmem:s3] =	stream.indirect.scatter.add.f32 [tilespmem:s10], [sflag:$0x1], $0x80, s18, s13, $0xb8;
	[tilespmem:$0x1E800] =	vst v63  }
0x5b: {  	s18 =	sadd.s32 $0x300, s19  }
0x5c: {  	[spmem:s3] =	stream.indirect.scatter.add.f32 [tilespmem:s10], [sflag:$0x1], $0x80, s18, s13, $0xb8;
	[tilespmem:$0x1E800] =	vst v63  }
0x5d: {  	s18 =	sadd.s32 $0x380, s19  }
0x5e: {  	[spmem:s3] =	stream.indirect.scatter.add.f32 [tilespmem:s10], [sflag:$0x1], $0x80, s18, s13, $0xb8;
	[tilespmem:$0x1E800] =	vst v63  }
0x5f: {  	s18 =	sadd.s32 $0x400, s19  }
0x60: {  	[spmem:s3] =	stream.indirect.scatter.add.f32 [tilespmem:s10], [sflag:$0x1], $0x80, s18, s13, $0xb8;
	[tilespmem:$0x1E800] =	vst v63  }
0x61: {  	s18 =	sadd.s32 $0x480, s19  }
0x62: {  	[spmem:s3] =	stream.indirect.scatter.add.f32 [tilespmem:s10], [sflag:$0x1], $0x80, s18, s13, $0xb8;
	[tilespmem:$0x1E800] =	vst v63  }
0x63: {  	_ =	swait.ge [sflag:s14], $0x2800  }
0x64: {  	[sflag:s14] =	ssyncset.done $0x0  }
0x65: {  	[sflag:s14] =	ssyncadd.s32 $0xFFFFD800  }
0x66: {  	_ =	swait.ge [sflag:s14], $0x2800  }
0x67: {  	[sflag:s14] =	ssyncset.done $0x0  }
0x68: {  	[sflag:s14] =	ssyncadd.s32 $0xFFFFD800  }
0x69: {  	_ =	swait.ge [sflag:s14], $0x2800  }
0x6a: {  	[sflag:s14] =	ssyncset.done $0x0  }
0x6b: {  	[sflag:s14] =	ssyncadd.s32 $0xFFFFD800  }
0x6c: {  	_ =	swait.ge [sflag:s14], $0x2800  }
0x6d: {  	[sflag:s14] =	ssyncset.done $0x0  }
0x6e: {  	[sflag:s14] =	ssyncadd.s32 $0xFFFFD800  }
0x6f: {  	_ =	swait.ge [sflag:s14], $0x2800  }
0x70: {  	[sflag:s14] =	ssyncset.done $0x0  }
0x71: {  	[sflag:s14] =	ssyncadd.s32 $0xFFFFD800  }
0x72: {  	_ =	swait.ge [sflag:s14], $0x2800  }
0x73: {  	[sflag:s14] =	ssyncset.done $0x0  }
0x74: {  	[sflag:s14] =	ssyncadd.s32 $0xFFFFD800  }
0x75: {  	_ =	swait.ge [sflag:s14], $0x2800  }
0x76: {  	[sflag:s14] =	ssyncset.done $0x0  }
0x77: {  	[sflag:s14] =	ssyncadd.s32 $0xFFFFD800  }
0x78: {  	_ =	swait.ge [sflag:s14], $0x2800  }
0x79: {  	[sflag:s14] =	ssyncset.done $0x0  }
0x7a: {  	[sflag:s14] =	ssyncadd.s32 $0xFFFFD800  }
.Ltmp0:
0x7b: {  	_ =	swait.ge [sflag:s14], $0x2800;
	(pc) =	sbr.rel @p0 .LBB2_2-.Ltmp0, $4  }
0x7c: {  	[sflag:s14] =	ssyncset.done $0x0  }
0x7d: {  	[sflag:s14] =	ssyncadd.s32 $0xFFFFD800  }
0x7e: {  	_ =	swait.ge [sflag:s14], $0x2800  }
0x7f: {  	s18 =	smov.u32 s17;
	[sflag:s14] =	ssyncset.done $0x0  }
0x80: {  	s16 =	sshra.s32 s16, $0x2;
	[sflag:s14] =	ssyncadd.s32 $0xFFFFD800  }
0x81: {  	[spmem:s3] =	stream.indirect.scatter.add.f32 [tilespmem:s10], [sflag:$0x1], $0x80, s16, s13, $0xb8;
	[tilespmem:$0x1E800] =	vst v63  }
0x82: {  	s17 =	sadd.s32 $0x80, s16  }
0x83: {  	[spmem:s3] =	stream.indirect.scatter.add.f32 [tilespmem:s10], [sflag:$0x1], $0x80, s17, s13, $0xb8;
	[tilespmem:$0x1E800] =	vst v63  }
0x84: {  	s24 =	sadd.s32 $0x100, s16  }
0x85: {  	[spmem:s3] =	stream.indirect.scatter.add.f32 [tilespmem:s10], [sflag:$0x1], $0x80, s24, s13, $0xb8;
	[tilespmem:$0x1E800] =	vst v63  }
0x86: {  	s25 =	sadd.s32 $0x180, s16  }
0x87: {  	[spmem:s3] =	stream.indirect.scatter.add.f32 [tilespmem:s10], [sflag:$0x1], $0x80, s25, s13, $0xb8;
	[tilespmem:$0x1E800] =	vst v63  }
0x88: {  	s26 =	sadd.s32 $0x200, s16  }
0x89: {  	[spmem:s3] =	stream.indirect.scatter.add.f32 [tilespmem:s10], [sflag:$0x1], $0x80, s26, s13, $0xb8;
	[tilespmem:$0x1E800] =	vst v63  }
0x8a: {  	s28 =	sadd.s32 $0x280, s16  }
0x8b: {  	[spmem:s3] =	stream.indirect.scatter.add.f32 [tilespmem:s10], [sflag:$0x1], $0x80, s28, s13, $0xb8;
	[tilespmem:$0x1E800] =	vst v63  }
0x8c: {  	s29 =	sadd.s32 $0x300, s16  }
0x8d: {  	[spmem:s3] =	stream.indirect.scatter.add.f32 [tilespmem:s10], [sflag:$0x1], $0x80, s29, s13, $0xb8;
	[tilespmem:$0x1E800] =	vst v63  }
0x8e: {  	s30 =	sadd.s32 $0x380, s16  }
0x8f: {  	[spmem:s3] =	stream.indirect.scatter.add.f32 [tilespmem:s10], [sflag:$0x1], $0x80, s30, s13, $0xb8;
	[tilespmem:$0x1E800] =	vst v63  }
0x90: {  	s31 =	sadd.s32 $0x400, s16  }
0x91: {  	[spmem:s3] =	stream.indirect.scatter.add.f32 [tilespmem:s10], [sflag:$0x1], $0x80, s31, s13, $0xb8;
	[tilespmem:$0x1E800] =	vst v63  }
0x92: {  	s16 =	sadd.s32 $0x480, s16  }
0x93: {  	[spmem:s3] =	stream.indirect.scatter.add.f32 [tilespmem:s10], [sflag:$0x1], $0x80, s16, s13, $0xb8;
	[tilespmem:$0x1E800] =	vst v63  }
0x94: {  	_ =	swait.ge [sflag:s14], $0x2800  }
0x95: {  	[sflag:s14] =	ssyncset.done $0x0  }
0x96: {  	[sflag:s14] =	ssyncadd.s32 $0xFFFFD800  }
0x97: {  	_ =	swait.ge [sflag:s14], $0x2800  }
0x98: {  	[sflag:s14] =	ssyncset.done $0x0  }
0x99: {  	[sflag:s14] =	ssyncadd.s32 $0xFFFFD800  }
0x9a: {  	_ =	swait.ge [sflag:s14], $0x2800  }
0x9b: {  	[sflag:s14] =	ssyncset.done $0x0  }
0x9c: {  	[sflag:s14] =	ssyncadd.s32 $0xFFFFD800  }
0x9d: {  	_ =	swait.ge [sflag:s14], $0x2800  }
0x9e: {  	[sflag:s14] =	ssyncset.done $0x0  }
0x9f: {  	[sflag:s14] =	ssyncadd.s32 $0xFFFFD800  }
0xa0: {  	_ =	swait.ge [sflag:s14], $0x2800  }
0xa1: {  	[sflag:s14] =	ssyncset.done $0x0  }
0xa2: {  	[sflag:s14] =	ssyncadd.s32 $0xFFFFD800  }
0xa3: {  	_ =	swait.ge [sflag:s14], $0x2800  }
0xa4: {  	[sflag:s14] =	ssyncset.done $0x0  }
0xa5: {  	[sflag:s14] =	ssyncadd.s32 $0xFFFFD800  }
0xa6: {  	_ =	swait.ge [sflag:s14], $0x2800  }
0xa7: {  	[sflag:s14] =	ssyncset.done $0x0  }
0xa8: {  	[sflag:s14] =	ssyncadd.s32 $0xFFFFD800  }
0xa9: {  	_ =	swait.ge [sflag:s14], $0x2800  }
0xaa: {  	[sflag:s14] =	ssyncset.done $0x0  }
0xab: {  	[sflag:s14] =	ssyncadd.s32 $0xFFFFD800  }
0xac: {  	_ =	swait.ge [sflag:s14], $0x2800  }
0xad: {  	[sflag:s14] =	ssyncset.done $0x0  }
0xae: {  	[sflag:s14] =	ssyncadd.s32 $0xFFFFD800  }
0xaf: {  	_ =	swait.ge [sflag:s14], $0x2800  }
0xb0: {  	s15 =	sadd.s32 $0x1, s15;
	[sflag:s14] =	ssyncset.done $0x0  }
0xb1: {  	p0 =	sne.s32 s15, s8;
	[sflag:s14] =	ssyncadd.s32 $0xFFFFD800  }
.Ltmp1:
0xb2: {  	[bflag:$0x0] =	sbarrier.arrive $0xFFFF;
	(pc) =	sbr.rel @p0 .LBB2_1-.Ltmp1, $4  }
0xb3: {  	[hbm:s7], [sflag:s11] =	dma.local [spmem:s12], $0x2800  }
0xb4: {  	_ =	swait.ge [sflag:s9], $0x2800  }
0xb5: {  	[sflag:s9] =	ssyncset.done $0x0  }
0xb6: {  	[sflag:s9] =	ssyncadd.s32 $0xFFFFD800  }
0xb7: {  	_ =	sfence.sel $0x180000  }
0xb8: {  	[bflag:$0x0] =	sbarrier.arrive $0xFFFF  }
0xb9: {  	p0 =	sne.s32 s5, $0x0;
	_ =	strace $0x90000047  }
0xba: {  	s0 =	sadd.s32 @!p0 $0x100000, s0;
	[bflag:$0x2] =	sbarrier.arrive $0xFFFF  }
0xbb: {  	[sflag:s0] =	ssyncadd.tile.s32 @!p0 $0x1;
	_ =	shalt  }
.Lfunc_end2:
_tile_overlayer_lowered:
.L_overlay_start_2:
0xbc: {  	(tag) =	ssettag $0x2  }
0xbd: {  	s0 =	rddreg [dreg:$0x0];
	s2 =	stileid.u32  }
0xbe: {  	s1 =	rddreg [dreg:$0x1];
	p0 =	sne.s32 s2, $0x0  }
0xbf: {  	s3 =	rddreg [dreg:$0x2];
	[bflag:$0x3] =	sbarrier.arrive $0xFFFF;
	s2 =	simm.s32 @!p0 $0x1C02  }
0xc0: {  	[timem:s3], [sflag:s2] =	dma.local @!p0 [hbm:s0], s1  }
0xc1: {  	s0 =	simm.s32 @!p0 $0x2  }
0xc2: {  	_ =	swait.ge @!p0 [sflag:s0], s1  }
0xc3: {  	s1 =	ssub.s32 @!p0 $0x0, s1;
	[sflag:s0] =	ssyncset.done @!p0 $0x0  }
0xc4: {  	[sflag:s0] =	ssyncadd.s32 @!p0 s1  }
0xc5: {  	[bflag:$0x3] =	sbarrier.arrive $0xFFFF  }
0xc6: {  	_ =	shalt  }

</sc_bundles>
